<compile_context>
chip_gen: v7x
topology: tpu7x:2x2x1
jax: 0.10.2.dev20260603
libtpu: 0.0.44.dev20260713+nightly
codegen_flags: <defaults>
</compile_context>

<pallas_src>
import jax
import jax.numpy as jnp
from jax import lax
from jax.experimental import pallas as pl
from jax.experimental.pallas import tpu as pltpu
from jax.experimental.pallas import tpu_sc as plsc

_DEPTH = 1000
_OUT = 64
_BATCH = 16384

_NC = 2
_NS = 16
_OBANDS = 8
_BQ = 4
_ROWS = _OUT // _OBANDS
_BPT = _BATCH // _BQ


def _gather_body(table_hbm, idx_hbm, out_hbm, w_v, idx_v, out_v, sem):
    wid = lax.axis_index("s") * _NC + lax.axis_index("c")
    band = wid // _BQ
    group = lax.rem(wid, _BQ)
    c1 = pltpu.async_copy(table_hbm.at[pl.ds(band * _ROWS, _ROWS)], w_v, sem)
    c2 = pltpu.async_copy(idx_hbm.at[0, pl.ds(group * _BPT, _BPT)], idx_v, sem)
    c1.wait()
    c2.wait()

    @plsc.parallel_loop(0, _BPT, step=16, unroll=8)
    def _(col):
        idx_vec = idx_v[pl.ds(col, 16)]
        for o in range(_ROWS):
            row = jnp.full((16,), o, dtype=jnp.int32)
            out_v[o, pl.ds(col, 16)] = plsc.load_gather(w_v, [row, idx_vec])

    pltpu.sync_copy(
        out_v,
        out_hbm.at[pl.ds(band * _ROWS, _ROWS), pl.ds(group * _BPT, _BPT)],
    )


def kernel(input_batch, W, b):
    idx = input_batch.astype(jnp.int32).reshape(1, _BATCH)
    table = W + b[:, None]

    mesh = plsc.VectorSubcoreMesh(core_axis_name="c", subcore_axis_name="s")
    gather = pl.kernel(
        _gather_body,
        mesh=mesh,
        compiler_params=pltpu.CompilerParams(
            use_tc_tiling_on_sc=True, needs_layout_passes=False
        ),
        out_type=jax.ShapeDtypeStruct((_OUT, _BATCH), jnp.float32),
        scratch_types=[
            pltpu.VMEM((_ROWS, _DEPTH), jnp.float32),
            pltpu.VMEM((_BPT,), jnp.int32),
            pltpu.VMEM((_ROWS, _BPT), jnp.float32),
            pltpu.SemaphoreType.DMA,
        ],
    )
    out_t = gather(table, idx)
    return out_t.T[:, None, :]

# --- scband reference (transcript-rebuilt; emitter-appended) ---
"""Pipeline reference for scband-agent-one-hot-encoder-21354577396017 (READ-ONLY COPY).

The authoritative reference and input builder live on the scoring server;
editing this copy changes nothing except your own understanding.
"""

import jax, jax.numpy as jnp
import numpy as np

DEPTH = 1000
OUT = 64
BATCH = 16384


def setup_inputs(seed: int = 0) -> dict:
    key = jax.random.key(seed)
    k1, k2, k3 = jax.random.split(key, 3)
    # forward input: integer class ids in [0, DEPTH), shape [B, 1]
    input_batch = jax.random.randint(k1, (BATCH, 1), 0, DEPTH, dtype=jnp.int64 if jax.config.jax_enable_x64 else jnp.int32)
    # nn.Linear(depth -> OUT): weight [OUT, DEPTH], bias [OUT]
    bound = 1.0 / np.sqrt(DEPTH)
    W = jax.random.uniform(k2, (OUT, DEPTH), minval=-bound, maxval=bound, dtype=jnp.float32)
    b = jax.random.uniform(k3, (OUT,), minval=-bound, maxval=bound, dtype=jnp.float32)
    return {"input_batch": input_batch, "W": W, "b": b}


def reference(input_batch, W, b):
    # stage_one_hot = F.one_hot(input_batch[key].squeeze(-1).long(), num_classes=depth).float()
    idx = jnp.squeeze(input_batch, axis=-1)
    stage_one_hot = jax.nn.one_hot(idx, DEPTH, dtype=jnp.float32)
    # mlp_output = Linear(stage_one_hot) ; one-hot @ W^T is an embedding-row gather + bias
    mlp_output = stage_one_hot @ W.T + b
    # unsqueeze(-2)
    return mlp_output[..., None, :]

if __name__ == "__main__":
    import jax
    _d = setup_inputs()
    print(jax.jit(kernel)(*tuple(_d.values())))

</pallas_src>

<mosaic_0001>
#map = affine_map<(d0, d1) -> (0, 0)>
module attributes {stable_mosaic.version = 14 : i64} {
  func.func @_gather_body(%arg0: i32, %arg1: i32, %arg2: memref<64x1000xf32, #tpu.memory_space<hbm>>, %arg3: memref<1x16384xi32, #tpu.memory_space<hbm>>, %arg4: memref<64x16384xf32, #tpu.memory_space<hbm>>, %arg5: memref<8x1000xf32, #tpu.memory_space<vmem>>, %arg6: memref<4096xi32, #tpu.memory_space<vmem>>, %arg7: memref<8x4096xf32, #tpu.memory_space<vmem>>, %arg8: memref<!tpu.dma_semaphore, #tpu.memory_space<semaphore_mem>>) attributes {dimension_semantics = [#tpu.dimension_semantics<core_parallel>, #tpu.dimension_semantics<subcore_parallel>], iteration_bounds = array<i64: 2, 16>, scalar_prefetch = 0 : i64, scratch_operands = 4 : i64, tpu.core_type = #tpu.core_type<sc_vector_subcore>, window_params = [{transform_indices = #map}, {transform_indices = #map}, {transform_indices = #map}]} {
    %mul3A = arith.constant 2 : i32
    %mul3A_0 = arith.muli %arg1, %mul3A : i32
    %add3A = arith.addi %mul3A_0, %arg0 : i32
    %jit3A = arith.constant 4 : i32
    %div3A = arith.divsi %add3A, %jit3A : i32
    %sign3A = arith.constant 0 : i32
    %sign3A_1 = arith.cmpi sgt, %add3A, %sign3A : i32
    %sign3A_2 = arith.extui %sign3A_1 : i1 to i32
    %sign3A_3 = arith.constant 0 : i32
    %sign3A_4 = arith.cmpi slt, %add3A, %sign3A_3 : i32
    %sign3A_5 = arith.extui %sign3A_4 : i1 to i32
    %sign3A_6 = arith.subi %sign3A_2, %sign3A_5 : i32
    %sign3A_7 = arith.constant 0 : i32
    %sign3A_8 = arith.cmpi sgt, %jit3A, %sign3A_7 : i32
    %sign3A_9 = arith.extui %sign3A_8 : i1 to i32
    %sign3A_10 = arith.constant 0 : i32
    %sign3A_11 = arith.cmpi slt, %jit3A, %sign3A_10 : i32
    %sign3A_12 = arith.extui %sign3A_11 : i1 to i32
    %sign3A_13 = arith.subi %sign3A_9, %sign3A_12 : i32
    %ne3A = arith.cmpi ne, %sign3A_6, %sign3A_13 : i32
    %rem3A = arith.remsi %add3A, %jit3A : i32
    %ne3A_14 = arith.constant 0 : i32
    %ne3A_15 = arith.cmpi ne, %rem3A, %ne3A_14 : i32
    %and3A = arith.andi %ne3A, %ne3A_15 : i1
    %sub3A = arith.constant 1 : i32
    %sub3A_16 = arith.subi %div3A, %sub3A : i32
    %select_n3A = arith.select %and3A, %sub3A_16, %div3A : i32
    %rem3A_17 = arith.constant 4 : i32
    %rem3A_18 = arith.remsi %add3A, %rem3A_17 : i32
    %mul3A_19 = arith.constant 8 : i32
    %mul3A_20 = arith.muli %select_n3A, %mul3A_19 : i32
    %dma_start3A = arith.constant 0 : i32
    %dma_start3A_21 = tpu.memref_slice %arg2[%mul3A_20, %dma_start3A] : memref<64x1000xf32, #tpu.memory_space<hbm>> -> memref<8x1000xf32, #tpu.memory_space<hbm>>
    %dma_start3A_22 = arith.constant 0 : i32
    %dma_start3A_23 = tpu.memref_slice %arg2[%mul3A_20, %dma_start3A_22] : memref<64x1000xf32, #tpu.memory_space<hbm>> -> memref<8x1000xf32, #tpu.memory_space<hbm>>
    tpu.enqueue_dma source(%dma_start3A_23 : memref<8x1000xf32, #tpu.memory_space<hbm>>) target(%arg5 : memref<8x1000xf32, #tpu.memory_space<vmem>>) target_semaphore(%arg8 : memref<!tpu.dma_semaphore, #tpu.memory_space<semaphore_mem>>)
    %mul3A_24 = arith.constant 4096 : i32
    %mul3A_25 = arith.muli %rem3A_18, %mul3A_24 : i32
    %dma_start3A_26 = arith.constant 0 : i32
    %dma_start3A_27 = tpu.memref_slice %arg3[%dma_start3A_26, %mul3A_25] : memref<1x16384xi32, #tpu.memory_space<hbm>> -> memref<1x4096xi32, #tpu.memory_space<hbm>>
    %dma_start3A_28 = tpu.memref_squeeze %dma_start3A_27 : memref<1x4096xi32, #tpu.memory_space<hbm>> -> memref<4096xi32, #tpu.memory_space<hbm>>
    %dma_start3A_29 = tpu.memref_slice %arg3[%dma_start3A_26, %mul3A_25] : memref<1x16384xi32, #tpu.memory_space<hbm>> -> memref<1x4096xi32, #tpu.memory_space<hbm>>
    %dma_start3A_30 = tpu.memref_squeeze %dma_start3A_29 : memref<1x4096xi32, #tpu.memory_space<hbm>> -> memref<4096xi32, #tpu.memory_space<hbm>>
    tpu.enqueue_dma source(%dma_start3A_30 : memref<4096xi32, #tpu.memory_space<hbm>>) target(%arg6 : memref<4096xi32, #tpu.memory_space<vmem>>) target_semaphore(%arg8 : memref<!tpu.dma_semaphore, #tpu.memory_space<semaphore_mem>>)
    %dma_wait3A = arith.constant 0 : i32
    %dma_wait3A_31 = tpu.memref_slice %arg2[%mul3A_20, %dma_wait3A] : memref<64x1000xf32, #tpu.memory_space<hbm>> -> memref<8x1000xf32, #tpu.memory_space<hbm>>
    %dma_wait3A_32 = arith.constant 0 : i32
    %dma_wait3A_33 = tpu.memref_slice %arg2[%mul3A_20, %dma_wait3A_32] : memref<64x1000xf32, #tpu.memory_space<hbm>> -> memref<8x1000xf32, #tpu.memory_space<hbm>>
    tpu.wait_dma2 semaphore(%arg8 : memref<!tpu.dma_semaphore, #tpu.memory_space<semaphore_mem>>) src(%dma_wait3A_33 : memref<8x1000xf32, #tpu.memory_space<hbm>>) dst(%arg5 : memref<8x1000xf32, #tpu.memory_space<vmem>>)
    %dma_wait3A_34 = arith.constant 0 : i32
    %dma_wait3A_35 = tpu.memref_slice %arg3[%dma_wait3A_34, %mul3A_25] : memref<1x16384xi32, #tpu.memory_space<hbm>> -> memref<1x4096xi32, #tpu.memory_space<hbm>>
    %dma_wait3A_36 = tpu.memref_squeeze %dma_wait3A_35 : memref<1x4096xi32, #tpu.memory_space<hbm>> -> memref<4096xi32, #tpu.memory_space<hbm>>
    %dma_wait3A_37 = tpu.memref_slice %arg3[%dma_wait3A_34, %mul3A_25] : memref<1x16384xi32, #tpu.memory_space<hbm>> -> memref<1x4096xi32, #tpu.memory_space<hbm>>
    %dma_wait3A_38 = tpu.memref_squeeze %dma_wait3A_37 : memref<1x4096xi32, #tpu.memory_space<hbm>> -> memref<4096xi32, #tpu.memory_space<hbm>>
    tpu.wait_dma2 semaphore(%arg8 : memref<!tpu.dma_semaphore, #tpu.memory_space<semaphore_mem>>) src(%dma_wait3A_38 : memref<4096xi32, #tpu.memory_space<hbm>>) dst(%arg6 : memref<4096xi32, #tpu.memory_space<vmem>>)
    %parallel_loop3A = arith.constant 0 : i32
    %parallel_loop3A_39 = arith.constant 4096 : i32
    %parallel_loop3A_40 = arith.constant 16 : i32
    scf.for %parallel_loop3A_45 = %parallel_loop3A to %parallel_loop3A_39 step %parallel_loop3A_40  : i32 {
      %parallel_loop3A_46 = arith.index_cast %parallel_loop3A_45 : i32 to index
      %parallel_loop3A_47 = tpu.vector_load %arg6[%parallel_loop3A_46] {strides = array<i32>} : memref<4096xi32, #tpu.memory_space<vmem>>, vector<16xi32>,
      %parallel_loop3A_48 = arith.constant 0 : i32
      %parallel_loop3A_49 = vector.broadcast %parallel_loop3A_48 : i32 to vector<16xi32>
      %parallel_loop3A_50 = tpu.vector_load_idx %arg5[%parallel_loop3A_49, %parallel_loop3A_47] : memref<8x1000xf32, #tpu.memory_space<vmem>>[vector<16xi32>, vector<16xi32>], vector<16xf32>,
      %parallel_loop3A_51 = arith.constant 0 : i32
      %parallel_loop3A_52 = arith.index_cast %parallel_loop3A_51 : i32 to index
      %parallel_loop3A_53 = arith.index_cast %parallel_loop3A_45 : i32 to index
      %parallel_loop3A_54 = tpu.vector_load %arg7[%parallel_loop3A_52, %parallel_loop3A_53] {strides = array<i32>} : memref<8x4096xf32, #tpu.memory_space<vmem>>, vector<16xf32>,
      tpu.vector_store %arg7[%parallel_loop3A_52, %parallel_loop3A_53], %parallel_loop3A_50 {strides = array<i32>} : memref<8x4096xf32, #tpu.memory_space<vmem>>, vector<16xf32>,
      %parallel_loop3A_55 = arith.constant 1 : i32
      %parallel_loop3A_56 = vector.broadcast %parallel_loop3A_55 : i32 to vector<16xi32>
      %parallel_loop3A_57 = tpu.vector_load_idx %arg5[%parallel_loop3A_56, %parallel_loop3A_47] : memref<8x1000xf32, #tpu.memory_space<vmem>>[vector<16xi32>, vector<16xi32>], vector<16xf32>,
      %parallel_loop3A_58 = arith.constant 1 : i32
      %parallel_loop3A_59 = arith.index_cast %parallel_loop3A_58 : i32 to index
      %parallel_loop3A_60 = arith.index_cast %parallel_loop3A_45 : i32 to index
      %parallel_loop3A_61 = tpu.vector_load %arg7[%parallel_loop3A_59, %parallel_loop3A_60] {strides = array<i32>} : memref<8x4096xf32, #tpu.memory_space<vmem>>, vector<16xf32>,
      tpu.vector_store %arg7[%parallel_loop3A_59, %parallel_loop3A_60], %parallel_loop3A_57 {strides = array<i32>} : memref<8x4096xf32, #tpu.memory_space<vmem>>, vector<16xf32>,
      %parallel_loop3A_62 = arith.constant 2 : i32
      %parallel_loop3A_63 = vector.broadcast %parallel_loop3A_62 : i32 to vector<16xi32>
      %parallel_loop3A_64 = tpu.vector_load_idx %arg5[%parallel_loop3A_63, %parallel_loop3A_47] : memref<8x1000xf32, #tpu.memory_space<vmem>>[vector<16xi32>, vector<16xi32>], vector<16xf32>,
      %parallel_loop3A_65 = arith.constant 2 : i32
      %parallel_loop3A_66 = arith.index_cast %parallel_loop3A_65 : i32 to index
      %parallel_loop3A_67 = arith.index_cast %parallel_loop3A_45 : i32 to index
      %parallel_loop3A_68 = tpu.vector_load %arg7[%parallel_loop3A_66, %parallel_loop3A_67] {strides = array<i32>} : memref<8x4096xf32, #tpu.memory_space<vmem>>, vector<16xf32>,
      tpu.vector_store %arg7[%parallel_loop3A_66, %parallel_loop3A_67], %parallel_loop3A_64 {strides = array<i32>} : memref<8x4096xf32, #tpu.memory_space<vmem>>, vector<16xf32>,
      %parallel_loop3A_69 = arith.constant 3 : i32
      %parallel_loop3A_70 = vector.broadcast %parallel_loop3A_69 : i32 to vector<16xi32>
      %parallel_loop3A_71 = tpu.vector_load_idx %arg5[%parallel_loop3A_70, %parallel_loop3A_47] : memref<8x1000xf32, #tpu.memory_space<vmem>>[vector<16xi32>, vector<16xi32>], vector<16xf32>,
      %parallel_loop3A_72 = arith.constant 3 : i32
      %parallel_loop3A_73 = arith.index_cast %parallel_loop3A_72 : i32 to index
      %parallel_loop3A_74 = arith.index_cast %parallel_loop3A_45 : i32 to index
      %parallel_loop3A_75 = tpu.vector_load %arg7[%parallel_loop3A_73, %parallel_loop3A_74] {strides = array<i32>} : memref<8x4096xf32, #tpu.memory_space<vmem>>, vector<16xf32>,
      tpu.vector_store %arg7[%parallel_loop3A_73, %parallel_loop3A_74], %parallel_loop3A_71 {strides = array<i32>} : memref<8x4096xf32, #tpu.memory_space<vmem>>, vector<16xf32>,
      %parallel_loop3A_76 = arith.constant 4 : i32
      %parallel_loop3A_77 = vector.broadcast %parallel_loop3A_76 : i32 to vector<16xi32>
      %parallel_loop3A_78 = tpu.vector_load_idx %arg5[%parallel_loop3A_77, %parallel_loop3A_47] : memref<8x1000xf32, #tpu.memory_space<vmem>>[vector<16xi32>, vector<16xi32>], vector<16xf32>,
      %parallel_loop3A_79 = arith.constant 4 : i32
      %parallel_loop3A_80 = arith.index_cast %parallel_loop3A_79 : i32 to index
      %parallel_loop3A_81 = arith.index_cast %parallel_loop3A_45 : i32 to index
      %parallel_loop3A_82 = tpu.vector_load %arg7[%parallel_loop3A_80, %parallel_loop3A_81] {strides = array<i32>} : memref<8x4096xf32, #tpu.memory_space<vmem>>, vector<16xf32>,
      tpu.vector_store %arg7[%parallel_loop3A_80, %parallel_loop3A_81], %parallel_loop3A_78 {strides = array<i32>} : memref<8x4096xf32, #tpu.memory_space<vmem>>, vector<16xf32>,
      %parallel_loop3A_83 = arith.constant 5 : i32
      %parallel_loop3A_84 = vector.broadcast %parallel_loop3A_83 : i32 to vector<16xi32>
      %parallel_loop3A_85 = tpu.vector_load_idx %arg5[%parallel_loop3A_84, %parallel_loop3A_47] : memref<8x1000xf32, #tpu.memory_space<vmem>>[vector<16xi32>, vector<16xi32>], vector<16xf32>,
      %parallel_loop3A_86 = arith.constant 5 : i32
      %parallel_loop3A_87 = arith.index_cast %parallel_loop3A_86 : i32 to index
      %parallel_loop3A_88 = arith.index_cast %parallel_loop3A_45 : i32 to index
      %parallel_loop3A_89 = tpu.vector_load %arg7[%parallel_loop3A_87, %parallel_loop3A_88] {strides = array<i32>} : memref<8x4096xf32, #tpu.memory_space<vmem>>, vector<16xf32>,
      tpu.vector_store %arg7[%parallel_loop3A_87, %parallel_loop3A_88], %parallel_loop3A_85 {strides = array<i32>} : memref<8x4096xf32, #tpu.memory_space<vmem>>, vector<16xf32>,
      %parallel_loop3A_90 = arith.constant 6 : i32
      %parallel_loop3A_91 = vector.broadcast %parallel_loop3A_90 : i32 to vector<16xi32>
      %parallel_loop3A_92 = tpu.vector_load_idx %arg5[%parallel_loop3A_91, %parallel_loop3A_47] : memref<8x1000xf32, #tpu.memory_space<vmem>>[vector<16xi32>, vector<16xi32>], vector<16xf32>,
      %parallel_loop3A_93 = arith.constant 6 : i32
      %parallel_loop3A_94 = arith.index_cast %parallel_loop3A_93 : i32 to index
      %parallel_loop3A_95 = arith.index_cast %parallel_loop3A_45 : i32 to index
      %parallel_loop3A_96 = tpu.vector_load %arg7[%parallel_loop3A_94, %parallel_loop3A_95] {strides = array<i32>} : memref<8x4096xf32, #tpu.memory_space<vmem>>, vector<16xf32>,
      tpu.vector_store %arg7[%parallel_loop3A_94, %parallel_loop3A_95], %parallel_loop3A_92 {strides = array<i32>} : memref<8x4096xf32, #tpu.memory_space<vmem>>, vector<16xf32>,
      %parallel_loop3A_97 = arith.constant 7 : i32
      %parallel_loop3A_98 = vector.broadcast %parallel_loop3A_97 : i32 to vector<16xi32>
      %parallel_loop3A_99 = tpu.vector_load_idx %arg5[%parallel_loop3A_98, %parallel_loop3A_47] : memref<8x1000xf32, #tpu.memory_space<vmem>>[vector<16xi32>, vector<16xi32>], vector<16xf32>,
      %parallel_loop3A_100 = arith.constant 7 : i32
      %parallel_loop3A_101 = arith.index_cast %parallel_loop3A_100 : i32 to index
      %parallel_loop3A_102 = arith.index_cast %parallel_loop3A_45 : i32 to index
      %parallel_loop3A_103 = tpu.vector_load %arg7[%parallel_loop3A_101, %parallel_loop3A_102] {strides = array<i32>} : memref<8x4096xf32, #tpu.memory_space<vmem>>, vector<16xf32>,
      tpu.vector_store %arg7[%parallel_loop3A_101, %parallel_loop3A_102], %parallel_loop3A_99 {strides = array<i32>} : memref<8x4096xf32, #tpu.memory_space<vmem>>, vector<16xf32>,
    } {sc.loop_unroll_factor = 8 : i64, sc.parallel_access}
    %mul3A_41 = arith.constant 8 : i32
    %mul3A_42 = arith.muli %select_n3A, %mul3A_41 : i32
    %mul3A_43 = arith.constant 4096 : i32
    %mul3A_44 = arith.muli %rem3A_18, %mul3A_43 : i32
    "tpu.region"() ({
      %run_scoped3A = tpu.sem_alloc : memref<!tpu.dma_semaphore, #tpu.memory_space<semaphore_mem>>
      %dma_start3A_45 = tpu.memref_slice %arg4[%mul3A_42, %mul3A_44] : memref<64x16384xf32, #tpu.memory_space<hbm>> -> memref<8x4096xf32, #tpu.memory_space<hbm>>
      %dma_start3A_46 = tpu.memref_slice %arg4[%mul3A_42, %mul3A_44] : memref<64x16384xf32, #tpu.memory_space<hbm>> -> memref<8x4096xf32, #tpu.memory_space<hbm>>
      tpu.enqueue_dma source(%arg7 : memref<8x4096xf32, #tpu.memory_space<vmem>>) target(%dma_start3A_46 : memref<8x4096xf32, #tpu.memory_space<hbm>>) target_semaphore(%run_scoped3A : memref<!tpu.dma_semaphore, #tpu.memory_space<semaphore_mem>>)
      %dma_wait3A_47 = tpu.memref_slice %arg4[%mul3A_42, %mul3A_44] : memref<64x16384xf32, #tpu.memory_space<hbm>> -> memref<8x4096xf32, #tpu.memory_space<hbm>>
      %dma_wait3A_48 = tpu.memref_slice %arg4[%mul3A_42, %mul3A_44] : memref<64x16384xf32, #tpu.memory_space<hbm>> -> memref<8x4096xf32, #tpu.memory_space<hbm>>
      tpu.wait_dma2 semaphore(%run_scoped3A : memref<!tpu.dma_semaphore, #tpu.memory_space<semaphore_mem>>) src(%arg7 : memref<8x4096xf32, #tpu.memory_space<vmem>>) dst(%dma_wait3A_48 : memref<8x4096xf32, #tpu.memory_space<hbm>>)
      tpu.yield
    }) : () -> ()
    return
  }
}

</mosaic_0001>

<sc_bundles>
// kernel: kernel.3.cloned.1.call-start
scs
__scs_entry_jumppad:
0x0: {  	(pc) =	sbr.rel $0x88, $3  }
0x1: {  	(tag) =	ssettag $0x0;
	lr =	simm.s32 $0x1  }
0x2: {  	[smem:$0x3F9E] =	sst lr;
	_ =	strace $0xD0000000  }
0x3: {  	_ = 	snop  }
0x4: {  	_ = 	snop  }
0x5: {  	_ = 	snop  }
0x6: {  	_ = 	snop  }
0x7: {  	_ = 	snop  }
__scs_overlays_trampoline_lowered:
0x8: {  	[smem:$0x3FAD] =	sst s0  }
0x9: {  	[smem:$0x3FAE] =	sst s1  }
0xa: {  	[smem:$0x3FAF] =	sst s2  }
0xb: {  	[smem:$0x3FB0] =	sst s3  }
0xc: {  	[smem:$0x3FB1] =	sst s4  }
0xd: {  	[smem:$0x3FB2] =	sst s5  }
0xe: {  	[smem:$0x3FB3] =	sst s6  }
0xf: {  	[smem:$0x3FB4] =	sst s7  }
0x10: {  	[smem:$0x3FB5] =	sst s8  }
0x11: {  	[smem:$0x3FB6] =	sst s9;
	s0 =	simm.s32 @!p0 $0x0  }
0x12: {  	s1 =	sld [smem:$0x3F9C];
	s0 =	simm.s32 @p0 $0x1  }
0x13: {  	[smem:$0x3FB7] =	sst s0;
	s0 =	simm.s32 @!p1 $0x0  }
0x14: {  	s2 =	sld [smem:$0x3F9B];
	s0 =	simm.s32 @p1 $0x1  }
0x15: {  	[smem:$0x3FB8] =	sst s0;
	s0 =	simm.s32 @!p2 $0x0  }
0x16: {  	s3 =	sld [smem:$0x3FDB];
	s0 =	simm.s32 @p2 $0x1  }
0x17: {  	s4 =	simm.s32 $0x1BF5;
	[smem:$0x3FBA] =	sst s0  }
0x18: {  	s0 =	sld [smem:$0x3F9D];
	_ =	swait.ge [sflag:s4], $0x0  }
0x19: {  	s7 =	sld [smem:$0x3F9E]  }
0x1a: {  	s8 =	sadd.s32 $0xFFFFE003, lr  }
0x1b: {  	s9 =	sadd.s32 $0xFFFFFEF7, lr;
	s5 =	simm.s32 $0xFFFFFFFF;
	p2 =	slt.u32 s8, $0xFFFFF086  }
0x1c: {  	p1 =	slt.u32 s9, $0xF7A;
	s5 =	simm.s32 @!p2 $0x0  }
0x1d: {  	s5 =	simm.s32 @p1 $0x1;
	p0 =	seq.s32 s7, s2  }
0x1e: {  	s7 =	smul.u32 @!p0 $0xF7A, s2;
	p2 =	seq.s32 @!p0 s5, $0x0  }
0x1f: {  	s9 =	smul.u32 $0xF7A, s1;
	s8 =	simm.s32 @!p0 $0x1BF5;
	p2 =	por !p2, p0  }
0x20: {  	[sflag:s8] =	ssyncset.s32 @!p0 $0xFFFFF086;
	s6 =	sadd.s32 @!p0 s3, s7;
	s7 =	simm.s32 @!p0 $0x108  }
0x21: {  	s3 =	sadd.s32 s3, s9;
	s6 =	sadd.s32 @!p0 $0x88, s6;
	s7 =	simm.s32 @p2 $0x1082  }
0x22: {  	[simem:s7], [sflag:s8] =	dma.local @!p0 [hbm:s6], $0xF7A  }
0x23: {  	s9 =	sor.u32 $0xD0000000, s2;
	s6 =	simm.s32 $0x108;
	_ =	swait.ge @!p0 [sflag:s8], $0x0  }
0x24: {  	s3 =	sadd.s32 $0x88, s3;
	s6 =	simm.s32 @!p1 $0x1082;
	[sflag:s4] =	ssyncset.s32 $0xFFFFF086  }
0x25: {  	[simem:s6], [sflag:s4] =	dma.local [hbm:s3], $0xF7A  }
0x26: {  	[smem:$0x3F9E] =	sst s1;
	(tag) =	ssettag s2;
	_ =	strace s9  }
0x27: {  	s1 =	sld [smem:$0x3FAE]  }
0x28: {  	s2 =	sld [smem:$0x3FAF]  }
0x29: {  	s4 =	sld [smem:$0x3FB1]  }
0x2a: {  	p0 =	seq.s32 s5, $0x0;
	s5 =	sld [smem:$0x3FB2]  }
0x2b: {  	s6 =	sld [smem:$0x3FB3]  }
0x2c: {  	s7 =	sld [smem:$0x3FB4]  }
0x2d: {  	s3 =	simm.s32 $0x108;
	s8 =	sld [smem:$0x3FB5]  }
0x2e: {  	s3 =	simm.s32 @!p0 $0x1082;
	s9 =	sld [smem:$0x3FB6]  }
0x2f: {  	lr =	sadd.s32 s0, s3;
	s0 =	sld [smem:$0x3FAD]  }
0x30: {  	s3 =	sld [smem:$0x3FB0]  }
0x31: {  	[smem:$0x3FB9] =	sst s10  }
0x32: {  	s10 =	sld [smem:$0x3FB7];
	_ =	sdelay $0x3  }
0x33: {  	p0 =	seq.s32 s10, $0x1;
	s10 =	sld [smem:$0x3FB9];
	_ =	sdelay $0x3  }
0x34: {  	[smem:$0x3FB9] =	sst s10  }
0x35: {  	s10 =	sld [smem:$0x3FB8];
	_ =	sdelay $0x3  }
0x36: {  	p1 =	seq.s32 s10, $0x1;
	s10 =	sld [smem:$0x3FB9];
	_ =	sdelay $0x3  }
0x37: {  	[smem:$0x3FB9] =	sst s10  }
0x38: {  	s10 =	sld [smem:$0x3FBA]  }
0x39: {  	_ = 	snop;
	(pc) =	sbr.ind lr, $3  }
0x3a: {  	_ = 	snop  }
0x3b: {  	_ = 	snop  }
0x3c: {  	p2 =	seq.s32 s10, $0x1;
	s10 =	sld [smem:$0x3FB9]  }
0x3d: {  	_ =	shalt  }
0x3e: {  	_ =	shalt  }
0x3f: {  	_ =	shalt  }
0x40: {  	_ =	shalt  }
0x41: {  	_ =	shalt  }
0x42: {  	_ =	shalt  }
0x43: {  	_ =	shalt  }
0x44: {  	_ =	shalt  }
0x45: {  	_ =	shalt  }
0x46: {  	_ =	shalt  }
0x47: {  	_ =	shalt  }
0x48: {  	_ =	shalt  }
0x49: {  	_ =	shalt  }
0x4a: {  	_ =	shalt  }
0x4b: {  	_ =	shalt  }
0x4c: {  	_ =	shalt  }
0x4d: {  	_ =	shalt  }
0x4e: {  	_ =	shalt  }
0x4f: {  	_ =	shalt  }
0x50: {  	_ =	shalt  }
0x51: {  	_ =	shalt  }
0x52: {  	_ =	shalt  }
0x53: {  	_ =	shalt  }
0x54: {  	_ =	shalt  }
0x55: {  	_ =	shalt  }
0x56: {  	_ =	shalt  }
0x57: {  	_ =	shalt  }
0x58: {  	_ =	shalt  }
0x59: {  	_ =	shalt  }
0x5a: {  	_ =	shalt  }
0x5b: {  	_ =	shalt  }
0x5c: {  	_ =	shalt  }
0x5d: {  	_ =	shalt  }
0x5e: {  	_ =	shalt  }
0x5f: {  	_ =	shalt  }
0x60: {  	_ =	shalt  }
0x61: {  	_ =	shalt  }
0x62: {  	_ =	shalt  }
0x63: {  	_ =	shalt  }
0x64: {  	_ =	shalt  }
0x65: {  	_ =	shalt  }
0x66: {  	_ =	shalt  }
0x67: {  	_ =	shalt  }
0x68: {  	_ =	shalt  }
0x69: {  	_ =	shalt  }
0x6a: {  	_ =	shalt  }
0x6b: {  	_ =	shalt  }
0x6c: {  	_ =	shalt  }
0x6d: {  	_ =	shalt  }
0x6e: {  	_ =	shalt  }
0x6f: {  	_ =	shalt  }
0x70: {  	_ =	shalt  }
0x71: {  	_ =	shalt  }
0x72: {  	_ =	shalt  }
0x73: {  	_ =	shalt  }
0x74: {  	_ =	shalt  }
0x75: {  	_ =	shalt  }
0x76: {  	_ =	shalt  }
0x77: {  	_ =	shalt  }
0x78: {  	_ =	shalt  }
0x79: {  	_ =	shalt  }
0x7a: {  	_ =	shalt  }
0x7b: {  	_ =	shalt  }
0x7c: {  	_ =	shalt  }
0x7d: {  	_ =	shalt  }
0x7e: {  	_ =	shalt  }
0x7f: {  	_ =	shalt  }
0x80: {  	_ =	shalt  }
0x81: {  	_ =	shalt  }
0x82: {  	_ =	shalt  }
0x83: {  	_ =	shalt  }
0x84: {  	_ =	shalt  }
0x85: {  	_ =	shalt  }
0x86: {  	_ =	shalt  }
0x87: {  	_ =	shalt  }
.Lfunc_end0:
.L_simem_size_0:
called_computation_lowered:
.L_overlay_start_0:
0x88: {  	s2 =	sld [smem:$0x3FD9]  }
0x89: {  	s3 =	sld [smem:$0x3FFE];
	_ =	sdelay $0x1  }
0x8a: {  	s1 =	srdreg.scid  }
0x8b: {  	s0 =	sand.u32 $0x1, s1  }
0x8c: {  	s17 =	sshll.u32 s0, $0xA;
	s2 =	sadd.s32 s3, s2  }
0x8d: {  	s2 =	sadd.s32 s2, s17  }
0x8e: {  	[smem:$0x3FC5] =	sst s2  }
0x8f: {  	_ = 	snop  }
0x90: {  	s2 =	sld [smem:$0x3FC9]  }
0x91: {  	s18 =	sld [smem:$0x3FD0];
	(tm) =	ssettm $0x1  }
0x92: {  	s4 =	sld [smem:$0x3FFB];
	_ =	sdelay $0x3  }
0x93: {  	_ =	strace s4  }
0x94: {  	s4 =	sld [smem:$0x3FFC];
	_ =	sdelay $0x3  }
0x95: {  	_ =	strace s4  }
0x96: {  	s4 =	sld [smem:$0x3FFD];
	_ =	sdelay $0x3  }
0x97: {  	_ =	strace s4  }
0x98: {  	_ =	strace $0x8FFFFFFF  }
0x99: {  	s19 =	sld [smem:$0x3FDB];
	_ =	sdelay $0x1  }
0x9a: {  	s5 =	simm.s32 $_scs_section_size  }
0x9b: {  	s6 =	simm.s32 $_size__tile_overlayer_lowered;
	s7 =	simm.s32 $_tile_overlayer_lowered  }
0x9c: {  	s22 =	simm.s32 $0x1BFF;
	s21 =	sshll.u32 s7, $0x1;
	s4 =	sadd.s32 s5, s19  }
0x9d: {  	s8 =	simm.s32 $0x0;
	s20 =	sshll.u32 s6, $0x1;
	s6 =	sadd.s32 s21, s4  }
0x9e: {  	[timem:s8], [sflag:s22] =	dma.local [hbm:s6], s20  }
0x9f: {  	_ =	swait.ge [sflag:s22], s20  }
0xa0: {  	s5 =	ssub.s32 $0x0, s20;
	[sflag:s22] =	ssyncset.done $0x0  }
0xa1: {  	[sflag:s22] =	ssyncadd.s32 s5;
	_ =	sdelay $0x1  }
0xa2: {  	s23 =	simm.s32 $0x1B8B  }
0xa3: {  	_ =	swait.ge [sflag:s23], $0x1  }
0xa4: {  	[sflag:s23] =	ssyncset.done $0x0  }
0xa5: {  	s25 =	simm.s32 $0x1B8E;
	s24 =	sld [smem:$0x3FFE];
	[sflag:s23] =	ssyncadd.s32 $0xFFFFFFFF  }
0xa6: {  	s26 =	simm.s32 $execute0_lowered;
	[smem:$0x3FD2] =	sst s25  }
0xa7: {  	s6 =	sshll.u32 s26, $0x1;
	_ =	strace $0x80000046;
	[dreg:$0x1] =	wrdreg $0xFFFFFFFF  }
0xa8: {  	s28 =	simm.s32 $_size_execute0_lowered;
	s4 =	sadd.s32 s4, s6;
	[dreg:$0x0] =	wrdreg $0x0  }
0xa9: {  	s6 =	sshll.u32 s28, $0x1;
	[dreg:$0x2] =	wrdreg s4  }
0xaa: {  	[dreg:$0x3] =	wrdreg s6  }
0xab: {  	[dreg:$0x4] =	wrdreg $0xC0  }
0xac: {  	_ =	task [dreg:s8], $0x5FFFF  }
0xad: {  	[dreg:$0x1] =	wrdreg $0xFFFFFFFF  }
0xae: {  	[dreg:$0x0] =	wrdreg $0x60  }
0xaf: {  	[dreg:$0x2] =	wrdreg s24  }
0xb0: {  	[dreg:$0x3] =	wrdreg s2  }
0xb1: {  	[dreg:$0x4] =	wrdreg s18  }
0xb2: {  	[dreg:$0x5] =	wrdreg $0x9  }
0xb3: {  	_ =	task.clear_ibuf [dreg:s8], $0x6FFFF;
	_ =	strace $0x90000046  }
0xb4: {  	s29 =	simm.s32 $0x9;
	_ =	strace $0x80000048  }
0xb5: {  	_ =	swait.ge [sflag:s29], $0x1  }
0xb6: {  	[sflag:s29] =	ssyncadd.s32 $0xFFFFFFFF  }
0xb7: {  	_ =	strace $0x90000048  }
0xb8: {  	_ =	sfence  }
0xb9: {  	s30 =	sld [smem:$0x0];
	_ =	sdelay $0x2  }
0xba: {  	s31 =	sshll.u32 s1, $0xD;
	s1 =	sshrl.u32 s1, $0x2  }
0xbb: {  	s3 =	sand.u32 $0x4000, s31;
	s1 =	sadd.s32 s1, s30  }
0xbc: {  	s0 =	sor.u32 s3, s0;
	s1 =	sshll.u32 s1, $0x11  }
0xbd: {  	s0 =	sor.u32 s1, s0  }
0xbe: {  	s0 =	sadd.s32 $0x8F2B, s0  }
0xbf: {  	[sflag:s0] =	ssyncadd.remote.s32 $0x1  }
0xc0: {  	_ =	sfence.sel $0xFFFF  }
0xc1: {  	[dreg:$0x0] =	wrdreg $0xFFFFFFFF;
	(pc) =	sbr.abs _section_cstart, $3  }
0xc2: {  	[dreg:$0x1] =	wrdreg $0xFFFFFFFF  }
0xc3: {  	_ =	task.clear_ibuf [dreg:s8], $0x2FFFF;
	_ =	strace $0x9FFFFFFF  }
0xc4: {  	(tm) =	ssettm $0x7FFFFFFF  }
0xc5: {  	_ =	shalt  }
tec
execute0_lowered:
.L_overlay_start_1:
0x0: {  	(tag) =	ssettag $0x1  }
0x1: {  	s3 =	rddreg [dreg:$0x0]  }
0x2: {  	s4 =	rddreg [dreg:$0x1]  }
0x3: {  	s5 =	rddreg [dreg:$0x2]  }
0x4: {  	s0 =	rddreg [dreg:$0x3];
	s2 =	simm.s32 $0x0  }
0x5: {  	s1 =	stileid.u32;
	s6 =	srdreg.scid;
	s11 =	simm.s32 $0x0  }
0x6: {  	[smem:$0x7FF] =	sst s2;
	s7 =	sshrl.u32 s1, $0x1;
	s6 =	sand.u32 $0x1, s6  }
0x7: {  	s10 =	sshll.u32 s1, $0x1;
	_ =	strace $0x80000047;
	s8 =	sshll.u32 s7, $0xA  }
0x8: {  	s9 =	ssub.s32 $0x2, s6;
	s10 =	sand.u32 $0x2, s10;
	s7 =	sshll.u32 s7, $0xE  }
0x9: {  	s3 =	sadd.s32 s8, s3;
	s30 =	sshrl.u32 s9, $0x1;
	s6 =	sor.u32 s6, s10  }
0xa: {  	s5 =	sadd.s32 s5, s7;
	s7 =	simm.s32 $0x2000;
	s10 =	simm.s32 $0x2  }
0xb: {  	s8 =	ssub.s32 s9, s30;
	s31 =	sshll.u32 s6, $0xC;
	s6 =	sshll.u32 s6, $0x9  }
0xc: {  	s3 =	sadd.s32 $0x400, s3;
	s9 =	simm.s32 $0x3000;
	s4 =	sadd.s32 s4, s6  }
0xd: {  	s5 =	sadd.s32 s31, s5;
	s6 =	smax.u32 s8, $0x1;
	s8 =	simm.s32 $0x1  }
.LBB2_1:
0xe: {  	[tilespmem:s2], [sflag:$0x1] =	stream.linear.gather [hbm4b:s3+s2], $0x2000, $0x38;
	[tilespmem:$0xB000] =	vst v63  }
0xf: {  	_ = 	snop  }
0x10: {  	[tilespmem:s7], [sflag:$0x1] =	stream.linear.gather [hbm4b:s4+s2], $0x1000, $0x38;
	[tilespmem:$0xB000] =	vst v63  }
0x11: {  	_ =	swait.ge [sflag:s8], $0x2000  }
0x12: {  	[sflag:s8] =	ssyncset.done $0x0  }
0x13: {  	[sflag:s8] =	ssyncadd.s32 $0xFFFFE000  }
0x14: {  	_ =	swait.ge [sflag:s8], $0x1000  }
0x15: {  	[sflag:s8] =	ssyncset.done $0x0  }
0x16: {  	s12 =	simm.s32 $0x2040;
	[sflag:s8] =	ssyncadd.s32 $0xFFFFF000  }
0x17: {  	v0 =	vld [tilespmem:s12+$0x30];
	_ =	sdelay $0x3  }
0x18: {  	v1 =	vld [tilespmem:s12+$0xFFFFFFD0]  }
0x19: {  	v2 =	vshll.u32 v0, $0x3  }
0x1a: {  	v3 =	vld [tilespmem:s12+$0xFFFFFFE0];
	v0 =	vand.u32 $0x7F, v0;
	v2 =	vand.u32 $0xFFFFFC00, v2  }
0x1b: {  	v5 =	vld [tilespmem:s12+$0xFFFFFFC0];
	v4 =	vor.u32 v0, v2;
	_ =	sdelay $0x1  }
0x1c: {  	v2 =	vld [tilespmem:s12+$0xFFFFFFF0];
	v0 =	vshll.u32 v1, $0x3  }
0x1d: {  	v7 =	vld [tilespmem:s12+$0x10];
	v1 =	vand.u32 $0x7F, v1;
	v8 =	vand.u32 $0xFFFFFC00, v0  }
0x1e: {  	v6 =	vld [tilespmem:s12+$0x0];
	v0 =	vshll.u32 v3, $0x3;
	v1 =	vor.u32 v1, v8  }
0x1f: {  	v11 =	vor.u32 $0x80, v4;
	v9 =	vand.u32 $0xFFFFFC00, v0;
	v0 =	vshll.u32 v5, $0x3;
	v10 =	vld.idx.msk [tilespmem:v4+s2+$0x0], $0xffff  }
0x20: {  	v12 =	vld [tilespmem:s12+$0x20];
	v3 =	vand.u32 $0x7F, v3;
	v5 =	vand.u32 $0x7F, v5;
	v0 =	vand.u32 $0xFFFFFC00, v0  }
0x21: {  	v0 =	vor.u32 v5, v0;
	v13 =	vshll.u32 v2, $0x3;
	v8 =	vand.u32 $0x7F, v2  }
0x22: {  	v2 =	vor.u32 v3, v9;
	v9 =	vshll.u32 v7, $0x3;
	v5 =	vand.u32 $0xFFFFFC00, v13  }
0x23: {  	s12 =	simm.s32 $0x3200;
	v13 =	vshll.u32 v6, $0x3;
	v3 =	vor.u32 v8, v5;
	v5 =	vand.u32 $0xFFFFFC00, v9;
	v9 =	vld.idx.msk [tilespmem:v1+s2+$0x0], $0xffff  }
0x24: {  	v15 =	vor.u32 $0x80, v1;
	v6 =	vand.u32 $0x7F, v6;
	v13 =	vand.u32 $0xFFFFFC00, v13;
	[tilespmem:s12+$0xFFFFFE70] =	vst v10  }
0x25: {  	v7 =	vand.u32 $0x7F, v7;
	v8 =	vshll.u32 v12, $0x3;
	v10 =	vor.u32 v6, v13;
	v6 =	vld.idx.msk [tilespmem:v11+s2+$0x0], $0xffff  }
0x26: {  	v11 =	vor.u32 v7, v5;
	v5 =	vld.idx.msk [tilespmem:v0+s2+$0x0], $0xffff;
	v7 =	vand.u32 $0xFFFFFC00, v8;
	v8 =	vand.u32 $0x7F, v12  }
0x27: {  	v13 =	vor.u32 $0x100, v4;
	v12 =	vor.u32 v8, v7;
	v7 =	vld.idx.msk [tilespmem:v2+s2+$0x0], $0xffff  }
0x28: {  	v8 =	vor.u32 $0x80, v0;
	v14 =	vld.idx.msk [tilespmem:v3+s2+$0x0], $0xffff;
	[tilespmem:s12+$0xFFFFFE10] =	vst v9  }
0x29: {  	v15 =	vld.idx.msk [tilespmem:v15+s2+$0x0], $0xffff  }
0x2a: {  	v17 =	vor.u32 $0x80, v2;
	v16 =	vld.idx.msk [tilespmem:v10+s2+$0x0], $0xffff  }
0x2b: {  	v18 =	vld.idx.msk [tilespmem:v11+s2+$0x0], $0xffff;
	[tilespmem:s12+$0xFFFFFEF0] =	vst v6;
	v6 =	vor.u32 $0x80, v3  }
0x2c: {  	[tilespmem:s12+$0xFFFFFE00] =	vst v5;
	v5 =	vld.idx.msk [tilespmem:v13+s2+$0x0], $0xffff;
	v13 =	vor.u32 $0x80, v10  }
0x2d: {  	v19 =	vor.u32 $0x80, v11;
	v8 =	vld.idx.msk [tilespmem:v8+s2+$0x0], $0xffff;
	[tilespmem:s12+$0xFFFFFE20] =	vst v7  }
0x2e: {  	v9 =	vld.idx.msk [tilespmem:v12+s2+$0x0], $0xffff;
	v7 =	vor.u32 $0x180, v4;
	[tilespmem:s12+$0xFFFFFE30] =	vst v14  }
0x2f: {  	v14 =	vor.u32 $0x80, v12;
	v17 =	vld.idx.msk [tilespmem:v17+s2+$0x0], $0xffff;
	[tilespmem:s12+$0xFFFFFE40] =	vst v16  }
0x30: {  	v16 =	vor.u32 $0x100, v0;
	v6 =	vld.idx.msk [tilespmem:v6+s2+$0x0], $0xffff;
	[tilespmem:s12+$0xFFFFFE50] =	vst v18  }
0x31: {  	v18 =	vor.u32 $0x100, v1;
	v13 =	vld.idx.msk [tilespmem:v13+s2+$0x0], $0xffff;
	[tilespmem:s12+$0xFFFFFF70] =	vst v5  }
0x32: {  	v5 =	vor.u32 $0x100, v2;
	[tilespmem:s12+$0xFFFFFE80] =	vst v8;
	v8 =	vld.idx.msk [tilespmem:v19+s2+$0x0], $0xffff  }
0x33: {  	[tilespmem:s12+$0xFFFFFE60] =	vst v9;
	v9 =	vor.u32 $0x100, v3;
	v7 =	vld.idx.msk [tilespmem:v7+s2+$0x0], $0xffff  }
0x34: {  	[tilespmem:s12+$0xFFFFFE90] =	vst v15;
	v19 =	vor.u32 $0x100, v10;
	v14 =	vld.idx.msk [tilespmem:v14+s2+$0x0], $0xffff  }
0x35: {  	[tilespmem:s12+$0xFFFFFEA0] =	vst v17;
	v17 =	vor.u32 $0x100, v11;
	v16 =	vld.idx.msk [tilespmem:v16+s2+$0x0], $0xffff  }
0x36: {  	v15 =	vor.u32 $0x200, v4;
	v18 =	vld.idx.msk [tilespmem:v18+s2+$0x0], $0xffff;
	[tilespmem:s12+$0xFFFFFEB0] =	vst v6  }
0x37: {  	v6 =	vor.u32 $0x100, v12;
	v5 =	vld.idx.msk [tilespmem:v5+s2+$0x0], $0xffff;
	[tilespmem:s12+$0xFFFFFEC0] =	vst v13  }
0x38: {  	v13 =	vor.u32 $0x180, v0;
	v9 =	vld.idx.msk [tilespmem:v9+s2+$0x0], $0xffff;
	[tilespmem:s12+$0xFFFFFED0] =	vst v8  }
0x39: {  	[tilespmem:s12+$0xFFFFFFF0] =	vst v7;
	v7 =	vor.u32 $0x180, v1;
	v19 =	vld.idx.msk [tilespmem:v19+s2+$0x0], $0xffff  }
0x3a: {  	[tilespmem:s12+$0xFFFFFEE0] =	vst v14;
	v14 =	vld.idx.msk [tilespmem:v17+s2+$0x0], $0xffff;
	v17 =	vor.u32 $0x180, v3  }
0x3b: {  	v8 =	vld.idx.msk [tilespmem:v15+s2+$0x0], $0xffff;
	v15 =	vor.u32 $0x180, v2;
	[tilespmem:s12+$0xFFFFFF00] =	vst v16  }
0x3c: {  	v16 =	vor.u32 $0x280, v4;
	[tilespmem:s12+$0xFFFFFF10] =	vst v18;
	v6 =	vld.idx.msk [tilespmem:v6+s2+$0x0], $0xffff  }
0x3d: {  	v18 =	vor.u32 $0x180, v10;
	v13 =	vld.idx.msk [tilespmem:v13+s2+$0x0], $0xffff;
	[tilespmem:s12+$0xFFFFFF20] =	vst v5  }
0x3e: {  	v5 =	vor.u32 $0x180, v11;
	[tilespmem:s12+$0xFFFFFF30] =	vst v9;
	v7 =	vld.idx.msk [tilespmem:v7+s2+$0x0], $0xffff  }
0x3f: {  	v9 =	vor.u32 $0x180, v12;
	[tilespmem:s12+$0xFFFFFF40] =	vst v19;
	v17 =	vld.idx.msk [tilespmem:v17+s2+$0x0], $0xffff  }
0x40: {  	v15 =	vld.idx.msk [tilespmem:v15+s2+$0x0], $0xffff;
	[tilespmem:s12+$0x70] =	vst v8;
	v8 =	vor.u32 $0x200, v0  }
0x41: {  	v19 =	vor.u32 $0x200, v1;
	[tilespmem:s12+$0xFFFFFF50] =	vst v14;
	v16 =	vld.idx.msk [tilespmem:v16+s2+$0x0], $0xffff  }
0x42: {  	v14 =	vld.idx.msk [tilespmem:v18+s2+$0x0], $0xffff;
	[tilespmem:s12+$0xFFFFFF60] =	vst v6;
	v6 =	vor.u32 $0x300, v4  }
0x43: {  	v18 =	vor.u32 $0x200, v2;
	[tilespmem:s12+$0xFFFFFF80] =	vst v13;
	v5 =	vld.idx.msk [tilespmem:v5+s2+$0x0], $0xffff  }
0x44: {  	v13 =	vor.u32 $0x200, v3;
	[tilespmem:s12+$0xFFFFFF90] =	vst v7;
	v7 =	vld.idx.msk [tilespmem:v9+s2+$0x0], $0xffff  }
0x45: {  	v9 =	vor.u32 $0x200, v10;
	v8 =	vld.idx.msk [tilespmem:v8+s2+$0x0], $0xffff;
	[tilespmem:s12+$0xFFFFFFA0] =	vst v15  }
0x46: {  	v15 =	vor.u32 $0x200, v11;
	v19 =	vld.idx.msk [tilespmem:v19+s2+$0x0], $0xffff;
	[tilespmem:s12+$0xF0] =	vst v16  }
0x47: {  	[tilespmem:s12+$0xFFFFFFB0] =	vst v17;
	v16 =	vor.u32 $0x200, v12;
	v6 =	vld.idx.msk [tilespmem:v6+s2+$0x0], $0xffff  }
0x48: {  	v17 =	vor.u32 $0x280, v0;
	v18 =	vld.idx.msk [tilespmem:v18+s2+$0x0], $0xffff;
	[tilespmem:s12+$0xFFFFFFC0] =	vst v14  }
0x49: {  	v4 =	vor.u32 $0x380, v4;
	v13 =	vld.idx.msk [tilespmem:v13+s2+$0x0], $0xffff;
	[tilespmem:s12+$0xFFFFFFD0] =	vst v5  }
0x4a: {  	v5 =	vor.u32 $0x280, v1;
	v9 =	vld.idx.msk [tilespmem:v9+s2+$0x0], $0xffff;
	[tilespmem:s12+$0xFFFFFFE0] =	vst v7  }
0x4b: {  	v7 =	vor.u32 $0x280, v2;
	[tilespmem:s12+$0x0] =	vst v8;
	v8 =	vld.idx.msk [tilespmem:v15+s2+$0x0], $0xffff  }
0x4c: {  	v14 =	vor.u32 $0x280, v3;
	[tilespmem:s12+$0x10] =	vst v19;
	v15 =	vld.idx.msk [tilespmem:v16+s2+$0x0], $0xffff  }
0x4d: {  	v16 =	vor.u32 $0x280, v10;
	v17 =	vld.idx.msk [tilespmem:v17+s2+$0x0], $0xffff;
	[tilespmem:s12+$0x170] =	vst v6  }
0x4e: {  	v6 =	vor.u32 $0x280, v11;
	[tilespmem:s12+$0x20] =	vst v18;
	v4 =	vld.idx.msk [tilespmem:v4+s2+$0x0], $0xffff  }
0x4f: {  	v18 =	vor.u32 $0x280, v12;
	v5 =	vld.idx.msk [tilespmem:v5+s2+$0x0], $0xffff;
	[tilespmem:s12+$0x30] =	vst v13  }
0x50: {  	v13 =	vor.u32 $0x300, v0;
	v7 =	vld.idx.msk [tilespmem:v7+s2+$0x0], $0xffff;
	[tilespmem:s12+$0x40] =	vst v9  }
0x51: {  	v9 =	vor.u32 $0x300, v1;
	v19 =	vld.idx.msk [tilespmem:v14+s2+$0x0], $0xffff;
	[tilespmem:s12+$0x50] =	vst v8  }
0x52: {  	v20 =	vor.u32 $0x300, v2;
	v21 =	vld.idx.msk [tilespmem:v16+s2+$0x0], $0xffff;
	[tilespmem:s12+$0x60] =	vst v15  }
0x53: {  	v22 =	vor.u32 $0x300, v3;
	[tilespmem:s12+$0x80] =	vst v17;
	v17 =	vld.idx.msk [tilespmem:v6+s2+$0x0], $0xffff  }
0x54: {  	v23 =	vor.u32 $0x300, v10;
	v15 =	vld.idx.msk [tilespmem:v18+s2+$0x0], $0xffff;
	[tilespmem:s12+$0x1F0] =	vst v4  }
0x55: {  	v14 =	vld.idx.msk [tilespmem:v13+s2+$0x0], $0xffff;
	[tilespmem:s12+$0x90] =	vst v5  }
0x56: {  	v13 =	vld.idx.msk [tilespmem:v9+s2+$0x0], $0xffff;
	[tilespmem:s12+$0xA0] =	vst v7  }
0x57: {  	v8 =	vor.u32 $0x300, v11;
	v6 =	vor.u32 $0x380, v1;
	v1 =	vor.u32 $0x380, v11;
	[tilespmem:s12+$0xB0] =	vst v19;
	v16 =	vld.idx.msk [tilespmem:v20+s2+$0x0], $0xffff  }
0x58: {  	v5 =	vor.u32 $0x380, v2;
	v4 =	vor.u32 $0x380, v3;
	v2 =	vor.u32 $0x380, v10;
	v3 =	vld.idx.msk [tilespmem:v22+s2+$0x0], $0xffff;
	[tilespmem:s12+$0xC0] =	vst v21  }
0x59: {  	s14 =	simm.s32 $0x0;
	s15 =	simm.s32 $0x20C0;
	s13 =	simm.s32 $0x3200;
	v7 =	vor.u32 $0x380, v0;
	v9 =	vor.u32 $0x300, v12;
	v0 =	vor.u32 $0x380, v12;
	v10 =	vld.idx.msk [tilespmem:v23+s2+$0x0], $0xffff;
	[tilespmem:s12+$0xD0] =	vst v17  }
.LBB2_2:
0x5a: {  	v11 =	vld [tilespmem:s15+$0x30];
	s14 =	sadd.s32 $0x80, s14;
	[tilespmem:s12+$0xE0] =	vst v15  }
0x5b: {  	v12 =	vld [tilespmem:s15+$0xFFFFFFD0];
	p0 =	slt.u32 s14, $0xF80;
	[tilespmem:s12+$0x100] =	vst v14  }
0x5c: {  	v14 =	vld [tilespmem:s15+$0xFFFFFFE0];
	[tilespmem:s12+$0x110] =	vst v13  }
0x5d: {  	v13 =	vld [tilespmem:s15+$0xFFFFFFF0];
	[tilespmem:s12+$0x120] =	vst v16  }
0x5e: {  	v15 =	vld [tilespmem:s15+$0x0];
	[tilespmem:s12+$0x130] =	vst v3  }
0x5f: {  	v16 =	vld [tilespmem:s15+$0x10];
	v3 =	vshll.u32 v11, $0x3;
	[tilespmem:s12+$0x140] =	vst v10  }
0x60: {  	v11 =	vand.u32 $0x7F, v11;
	v10 =	vshll.u32 v12, $0x3;
	v17 =	vld [tilespmem:s15+$0x20];
	v3 =	vand.u32 $0xFFFFFC00, v3  }
0x61: {  	v18 =	vld [tilespmem:s15+$0xFFFFFFC0];
	v10 =	vand.u32 $0xFFFFFC00, v10;
	v19 =	vshll.u32 v14, $0x3;
	v3 =	vor.u32 v11, v3  }
0x62: {  	v11 =	vand.u32 $0x7F, v12;
	v12 =	vand.u32 $0xFFFFFC00, v19;
	v19 =	vshll.u32 v13, $0x3;
	v8 =	vld.idx.msk [tilespmem:v8+s2+$0x0], $0xffff  }
0x63: {  	v14 =	vand.u32 $0x7F, v14;
	v19 =	vand.u32 $0xFFFFFC00, v19;
	v20 =	vshll.u32 v15, $0x3;
	v9 =	vld.idx.msk [tilespmem:v9+s2+$0x0], $0xffff  }
0x64: {  	v13 =	vand.u32 $0x7F, v13;
	v20 =	vand.u32 $0xFFFFFC00, v20;
	v21 =	vshll.u32 v16, $0x3;
	v7 =	vld.idx.msk [tilespmem:v7+s2+$0x0], $0xffff  }
0x65: {  	v15 =	vand.u32 $0x7F, v15;
	v21 =	vand.u32 $0xFFFFFC00, v21;
	v22 =	vshll.u32 v17, $0x3;
	v6 =	vld.idx.msk [tilespmem:v6+s2+$0x0], $0xffff  }
0x66: {  	v23 =	vand.u32 $0x7F, v18;
	v18 =	vshll.u32 v18, $0x3;
	v22 =	vand.u32 $0xFFFFFC00, v22;
	v24 =	vld.idx.msk [tilespmem:v3+s2+$0x0], $0xffff  }
0x67: {  	v16 =	vand.u32 $0x7F, v16;
	v17 =	vand.u32 $0x7F, v17;
	v18 =	vand.u32 $0xFFFFFC00, v18;
	v5 =	vld.idx.msk [tilespmem:v5+s2+$0x0], $0xffff  }
0x68: {  	v25 =	vor.u32 v11, v10;
	v10 =	vor.u32 $0x80, v3;
	v23 =	vor.u32 v23, v18;
	v4 =	vld.idx.msk [tilespmem:v4+s2+$0x0], $0xffff;
	[tilespmem:s12+$0x150] =	vst v8  }
0x69: {  	v26 =	vor.u32 v14, v12;
	v27 =	vor.u32 v13, v19;
	v28 =	vor.u32 v15, v20;
	[tilespmem:s12+$0x160] =	vst v9  }
0x6a: {  	v21 =	vor.u32 v16, v21;
	v22 =	vor.u32 v17, v22;
	v8 =	vor.u32 $0x80, v23;
	[tilespmem:s12+$0x180] =	vst v7;
	v2 =	vld.idx.msk [tilespmem:v2+s2+$0x0], $0xffff  }
0x6b: {  	v29 =	vor.u32 $0x80, v27;
	v9 =	vor.u32 $0x80, v26;
	v7 =	vor.u32 $0x80, v25;
	s12 =	sadd.s32 $0x400, s12;
	[tilespmem:s13+$0x190] =	vst v6;
	v1 =	vld.idx.msk [tilespmem:v1+s2+$0x0], $0xffff  }
0x6c: {  	v30 =	vor.u32 $0x80, v28;
	v31 =	vor.u32 $0x80, v21;
	v32 =	vor.u32 $0x80, v22;
	[tilespmem:s12+$0xFFFFFE70] =	vst v24;
	v0 =	vld.idx.msk [tilespmem:v0+s2+$0x0], $0xffff  }
0x6d: {  	v33 =	vor.u32 $0x100, v25;
	v34 =	vor.u32 $0x100, v26;
	v24 =	vor.u32 $0x100, v23;
	v6 =	vld.idx.msk [tilespmem:v10+s2+$0x0], $0xffff;
	[tilespmem:s13+$0x1A0] =	vst v5  }
0x6e: {  	v35 =	vor.u32 $0x100, v27;
	v36 =	vor.u32 $0x100, v28;
	v37 =	vor.u32 $0x100, v21;
	v5 =	vld.idx.msk [tilespmem:v23+s2+$0x0], $0xffff;
	[tilespmem:s13+$0x1B0] =	vst v4  }
0x6f: {  	v39 =	vor.u32 $0x100, v22;
	v38 =	vor.u32 $0x180, v23;
	v10 =	vor.u32 $0x100, v3;
	v4 =	vld.idx.msk [tilespmem:v25+s2+$0x0], $0xffff  }
0x70: {  	v40 =	vor.u32 $0x180, v25;
	v41 =	vor.u32 $0x180, v26;
	v42 =	vor.u32 $0x180, v27;
	v11 =	vld.idx.msk [tilespmem:v26+s2+$0x0], $0xffff;
	[tilespmem:s13+$0x1C0] =	vst v2  }
0x71: {  	v43 =	vor.u32 $0x180, v28;
	v44 =	vor.u32 $0x180, v21;
	v45 =	vor.u32 $0x180, v22;
	v2 =	vld.idx.msk [tilespmem:v27+s2+$0x0], $0xffff;
	[tilespmem:s13+$0x1D0] =	vst v1  }
0x72: {  	v47 =	vor.u32 $0x200, v25;
	v48 =	vor.u32 $0x200, v26;
	v46 =	vor.u32 $0x200, v23;
	v1 =	vld.idx.msk [tilespmem:v28+s2+$0x0], $0xffff;
	[tilespmem:s13+$0x1E0] =	vst v0;
	s13 =	smov.u32 s12  }
0x73: {  	v49 =	vor.u32 $0x200, v27;
	v50 =	vor.u32 $0x200, v28;
	v51 =	vor.u32 $0x200, v21;
	v0 =	vld.idx.msk [tilespmem:v21+s2+$0x0], $0xffff;
	[tilespmem:s12+$0xFFFFFEF0] =	vst v6  }
0x74: {  	v18 =	vor.u32 $0x280, v25;
	v53 =	vor.u32 $0x200, v22;
	v52 =	vor.u32 $0x280, v23;
	[tilespmem:s12+$0xFFFFFE00] =	vst v5;
	v54 =	vld.idx.msk [tilespmem:v10+s2+$0x0], $0xffff  }
0x75: {  	v20 =	vor.u32 $0x280, v26;
	v19 =	vor.u32 $0x280, v27;
	v15 =	vor.u32 $0x280, v28;
	[tilespmem:s12+$0xFFFFFE10] =	vst v4;
	v55 =	vld.idx.msk [tilespmem:v22+s2+$0x0], $0xffff  }
0x76: {  	v57 =	vor.u32 $0x180, v3;
	v17 =	vor.u32 $0x280, v21;
	v16 =	vor.u32 $0x280, v22;
	v56 =	vld.idx.msk [tilespmem:v8+s2+$0x0], $0xffff;
	[tilespmem:s12+$0xFFFFFE20] =	vst v11  }
0x77: {  	v13 =	vor.u32 $0x300, v25;
	v14 =	vor.u32 $0x300, v23;
	v10 =	vor.u32 $0x300, v26;
	v58 =	vld.idx.msk [tilespmem:v7+s2+$0x0], $0xffff;
	[tilespmem:s12+$0xFFFFFE30] =	vst v2  }
0x78: {  	v12 =	vor.u32 $0x300, v27;
	v11 =	vor.u32 $0x300, v28;
	v8 =	vor.u32 $0x300, v21;
	v59 =	vld.idx.msk [tilespmem:v9+s2+$0x0], $0xffff;
	[tilespmem:s12+$0xFFFFFE40] =	vst v1  }
0x79: {  	v6 =	vor.u32 $0x380, v25;
	v7 =	vor.u32 $0x380, v23;
	v9 =	vor.u32 $0x300, v22;
	v23 =	vld.idx.msk [tilespmem:v29+s2+$0x0], $0xffff;
	[tilespmem:s12+$0xFFFFFE50] =	vst v0  }
0x7a: {  	v5 =	vor.u32 $0x380, v26;
	v4 =	vor.u32 $0x380, v27;
	v2 =	vor.u32 $0x380, v28;
	v25 =	vld.idx.msk [tilespmem:v30+s2+$0x0], $0xffff;
	[tilespmem:s12+$0xFFFFFF70] =	vst v54  }
0x7b: {  	v1 =	vor.u32 $0x380, v21;
	v0 =	vor.u32 $0x380, v22;
	[tilespmem:s12+$0xFFFFFE60] =	vst v55;
	v21 =	vld.idx.msk [tilespmem:v57+s2+$0x0], $0xffff  }
0x7c: {  	[tilespmem:s12+$0xFFFFFE80] =	vst v56;
	v22 =	vld.idx.msk [tilespmem:v31+s2+$0x0], $0xffff  }
0x7d: {  	v27 =	vor.u32 $0x200, v3;
	[tilespmem:s12+$0xFFFFFE90] =	vst v58;
	v26 =	vld.idx.msk [tilespmem:v32+s2+$0x0], $0xffff  }
0x7e: {  	v24 =	vld.idx.msk [tilespmem:v24+s2+$0x0], $0xffff;
	[tilespmem:s12+$0xFFFFFEA0] =	vst v59  }
0x7f: {  	v28 =	vld.idx.msk [tilespmem:v33+s2+$0x0], $0xffff;
	[tilespmem:s12+$0xFFFFFEB0] =	vst v23  }
0x80: {  	v23 =	vld.idx.msk [tilespmem:v34+s2+$0x0], $0xffff;
	[tilespmem:s12+$0xFFFFFEC0] =	vst v25  }
0x81: {  	v25 =	vld.idx.msk [tilespmem:v35+s2+$0x0], $0xffff;
	[tilespmem:s12+$0xFFFFFFF0] =	vst v21  }
0x82: {  	[tilespmem:s12+$0xFFFFFED0] =	vst v22;
	v21 =	vld.idx.msk [tilespmem:v27+s2+$0x0], $0xffff  }
0x83: {  	v22 =	vld.idx.msk [tilespmem:v36+s2+$0x0], $0xffff;
	[tilespmem:s12+$0xFFFFFEE0] =	vst v26  }
0x84: {  	v26 =	vor.u32 $0x280, v3;
	[tilespmem:s12+$0xFFFFFF00] =	vst v24;
	v24 =	vld.idx.msk [tilespmem:v37+s2+$0x0], $0xffff  }
0x85: {  	[tilespmem:s12+$0xFFFFFF10] =	vst v28;
	v27 =	vld.idx.msk [tilespmem:v39+s2+$0x0], $0xffff  }
0x86: {  	v28 =	vld.idx.msk [tilespmem:v38+s2+$0x0], $0xffff;
	[tilespmem:s12+$0xFFFFFF20] =	vst v23  }
0x87: {  	v23 =	vld.idx.msk [tilespmem:v40+s2+$0x0], $0xffff;
	[tilespmem:s12+$0xFFFFFF30] =	vst v25  }
0x88: {  	v25 =	vld.idx.msk [tilespmem:v41+s2+$0x0], $0xffff;
	[tilespmem:s12+$0x70] =	vst v21  }
0x89: {  	[tilespmem:s12+$0xFFFFFF40] =	vst v22;
	v21 =	vld.idx.msk [tilespmem:v26+s2+$0x0], $0xffff  }
0x8a: {  	v22 =	vld.idx.msk [tilespmem:v42+s2+$0x0], $0xffff;
	[tilespmem:s12+$0xFFFFFF50] =	vst v24  }
0x8b: {  	v26 =	vor.u32 $0x300, v3;
	v24 =	vld.idx.msk [tilespmem:v43+s2+$0x0], $0xffff;
	[tilespmem:s12+$0xFFFFFF60] =	vst v27  }
0x8c: {  	[tilespmem:s12+$0xFFFFFF80] =	vst v28;
	v27 =	vld.idx.msk [tilespmem:v44+s2+$0x0], $0xffff  }
0x8d: {  	[tilespmem:s12+$0xFFFFFF90] =	vst v23;
	v23 =	vld.idx.msk [tilespmem:v45+s2+$0x0], $0xffff  }
0x8e: {  	v28 =	vld.idx.msk [tilespmem:v46+s2+$0x0], $0xffff;
	[tilespmem:s12+$0xFFFFFFA0] =	vst v25  }
0x8f: {  	v25 =	vld.idx.msk [tilespmem:v47+s2+$0x0], $0xffff;
	[tilespmem:s12+$0xF0] =	vst v21  }
0x90: {  	[tilespmem:s12+$0xFFFFFFB0] =	vst v22;
	v21 =	vld.idx.msk [tilespmem:v26+s2+$0x0], $0xffff  }
0x91: {  	v22 =	vld.idx.msk [tilespmem:v48+s2+$0x0], $0xffff;
	[tilespmem:s12+$0xFFFFFFC0] =	vst v24  }
0x92: {  	v3 =	vor.u32 $0x380, v3;
	v24 =	vld.idx.msk [tilespmem:v49+s2+$0x0], $0xffff;
	[tilespmem:s12+$0xFFFFFFD0] =	vst v27  }
0x93: {  	v26 =	vld.idx.msk [tilespmem:v50+s2+$0x0], $0xffff;
	[tilespmem:s12+$0xFFFFFFE0] =	vst v23  }
0x94: {  	[tilespmem:s12+$0x0] =	vst v28;
	v23 =	vld.idx.msk [tilespmem:v51+s2+$0x0], $0xffff  }
0x95: {  	[tilespmem:s12+$0x10] =	vst v25;
	v25 =	vld.idx.msk [tilespmem:v53+s2+$0x0], $0xffff  }
0x96: {  	v27 =	vld.idx.msk [tilespmem:v52+s2+$0x0], $0xffff;
	[tilespmem:s12+$0x170] =	vst v21  }
0x97: {  	[tilespmem:s12+$0x20] =	vst v22;
	v3 =	vld.idx.msk [tilespmem:v3+s2+$0x0], $0xffff  }
0x98: {  	v18 =	vld.idx.msk [tilespmem:v18+s2+$0x0], $0xffff;
	[tilespmem:s12+$0x30] =	vst v24  }
0x99: {  	v20 =	vld.idx.msk [tilespmem:v20+s2+$0x0], $0xffff;
	[tilespmem:s12+$0x40] =	vst v26  }
0x9a: {  	v19 =	vld.idx.msk [tilespmem:v19+s2+$0x0], $0xffff;
	[tilespmem:s12+$0x50] =	vst v23  }
0x9b: {  	v21 =	vld.idx.msk [tilespmem:v15+s2+$0x0], $0xffff;
	[tilespmem:s12+$0x60] =	vst v25  }
0x9c: {  	[tilespmem:s12+$0x80] =	vst v27;
	v17 =	vld.idx.msk [tilespmem:v17+s2+$0x0], $0xffff  }
0x9d: {  	v15 =	vld.idx.msk [tilespmem:v16+s2+$0x0], $0xffff;
	[tilespmem:s12+$0x1F0] =	vst v3  }
.Ltmp0:
0x9e: {  	v14 =	vld.idx.msk [tilespmem:v14+s2+$0x0], $0xffff;
	[tilespmem:s12+$0x90] =	vst v18;
	(pc) =	sbr.rel @p0 .LBB2_2-.Ltmp0, $4  }
0x9f: {  	v13 =	vld.idx.msk [tilespmem:v13+s2+$0x0], $0xffff;
	[tilespmem:s12+$0xA0] =	vst v20  }
0xa0: {  	v16 =	vld.idx.msk [tilespmem:v10+s2+$0x0], $0xffff;
	[tilespmem:s12+$0xB0] =	vst v19  }
0xa1: {  	v3 =	vld.idx.msk [tilespmem:v12+s2+$0x0], $0xffff;
	[tilespmem:s12+$0xC0] =	vst v21  }
0xa2: {  	s15 =	sadd.s32 $0x80, s15;
	v10 =	vld.idx.msk [tilespmem:v11+s2+$0x0], $0xffff;
	[tilespmem:s12+$0xD0] =	vst v17  }
0xa3: {  	_ =	sdelay $0x2  }
0xa4: {  	[tilespmem:s12+$0xE0] =	vst v15  }
0xa5: {  	[tilespmem:s12+$0x100] =	vst v14;
	v8 =	vld.idx.msk [tilespmem:v8+s2+$0x0], $0xffff  }
0xa6: {  	[tilespmem:s12+$0x110] =	vst v13;
	v9 =	vld.idx.msk [tilespmem:v9+s2+$0x0], $0xffff  }
0xa7: {  	v7 =	vld.idx.msk [tilespmem:v7+s2+$0x0], $0xffff;
	[tilespmem:s12+$0x120] =	vst v16  }
0xa8: {  	v63 =	vld.idx.msk [tilespmem:v6+s2+$0x0], $0xffff;
	[tilespmem:s12+$0x130] =	vst v3  }
0xa9: {  	v5 =	vld.idx.msk [tilespmem:v5+s2+$0x0], $0xffff;
	[tilespmem:s12+$0x140] =	vst v10  }
0xaa: {  	v4 =	vld.idx.msk [tilespmem:v4+s2+$0x0], $0xffff;
	[tilespmem:s12+$0x150] =	vst v8  }
0xab: {  	v2 =	vld.idx.msk [tilespmem:v2+s2+$0x0], $0xffff;
	[tilespmem:s12+$0x160] =	vst v9  }
0xac: {  	[tilespmem:s12+$0x180] =	vst v7;
	v1 =	vld.idx.msk [tilespmem:v1+s2+$0x0], $0xffff  }
0xad: {  	[tilespmem:s13+$0x190] =	vst v63;
	v0 =	vld.idx.msk [tilespmem:v0+s2+$0x0], $0xffff  }
0xae: {  	[tilespmem:s13+$0x1A0] =	vst v5  }
0xaf: {  	[tilespmem:s13+$0x1B0] =	vst v4  }
0xb0: {  	s11 =	sadd.s32 $0x1, s11;
	[tilespmem:s13+$0x1C0] =	vst v2  }
0xb1: {  	p0 =	sne.s32 s11, s6;
	[tilespmem:s13+$0x1D0] =	vst v1  }
.Ltmp1:
0xb2: {  	[tilespmem:s13+$0x1E0] =	vst v0;
	(pc) =	sbr.rel @p0 .LBB2_1-.Ltmp1, $4  }
0xb3: {  	[hbm4b:s5+s2] =	stream.linear.scatter [tilespmem:s9], [sflag:$0x2], $0x8000, $0x38;
	[tilespmem:$0xB000] =	vst v63  }
0xb4: {  	_ =	swait.ge [sflag:s10], $0x8000  }
0xb5: {  	[sflag:s10] =	ssyncset.done $0x0  }
0xb6: {  	[sflag:s10] =	ssyncadd.s32 $0xFFFF8000  }
0xb7: {  	_ =	sfence.sel $0x180000  }
0xb8: {  	[bflag:$0x0] =	sbarrier.arrive $0xFFFF  }
0xb9: {  	p0 =	sne.s32 s1, $0x0;
	_ =	strace $0x90000047  }
0xba: {  	s0 =	sadd.s32 @!p0 $0x100000, s0;
	[bflag:$0x2] =	sbarrier.arrive $0xFFFF  }
0xbb: {  	[sflag:s0] =	ssyncadd.tile.s32 @!p0 $0x1;
	_ =	shalt  }
.Lfunc_end2:
_tile_overlayer_lowered:
.L_overlay_start_2:
0xbc: {  	(tag) =	ssettag $0x2  }
0xbd: {  	s0 =	rddreg [dreg:$0x0];
	s2 =	stileid.u32  }
0xbe: {  	s1 =	rddreg [dreg:$0x1];
	p0 =	sne.s32 s2, $0x0  }
0xbf: {  	s3 =	rddreg [dreg:$0x2];
	[bflag:$0x3] =	sbarrier.arrive $0xFFFF;
	s2 =	simm.s32 @!p0 $0x1C02  }
0xc0: {  	[timem:s3], [sflag:s2] =	dma.local @!p0 [hbm:s0], s1  }
0xc1: {  	s0 =	simm.s32 @!p0 $0x2  }
0xc2: {  	_ =	swait.ge @!p0 [sflag:s0], s1  }
0xc3: {  	s1 =	ssub.s32 @!p0 $0x0, s1;
	[sflag:s0] =	ssyncset.done @!p0 $0x0  }
0xc4: {  	[sflag:s0] =	ssyncadd.s32 @!p0 s1  }
0xc5: {  	[bflag:$0x3] =	sbarrier.arrive $0xFFFF  }
0xc6: {  	_ =	shalt  }

</sc_bundles>
